<compile_context>
chip_gen: v7x
topology: tpu7x:2x2x1
jax: 0.10.2.dev20260603
libtpu: 0.0.44.dev20260713+nightly
codegen_flags: <defaults>
</compile_context>

<pallas_src>
import functools

import jax
import jax.numpy as jnp
from jax import lax
from jax.experimental import pallas as pl
from jax.experimental.pallas import tpu as pltpu
from jax.experimental.pallas import tpu_sc as plsc

_WINDOW = 128
_NBUF = 2


def kernel(input_ids, weights, table):
    B, S = input_ids.shape
    V, D = table.shape
    N = B * S

    mesh = plsc.VectorSubcoreMesh(
        core_axis_name="core", subcore_axis_name="subcore"
    )
    info = plsc.get_sparse_core_info()
    n_workers = info.num_cores * info.num_subcores
    per_w = N // n_workers
    nsteps = per_w // _WINDOW

    @functools.partial(
        pl.kernel,
        out_type=jax.ShapeDtypeStruct((N, D), jnp.float32),
        mesh=mesh,
        scratch_types=[
            pltpu.VMEM((_NBUF, _WINDOW, D), jnp.float32),
            pltpu.VMEM_SHARED((16, _WINDOW, D), jnp.float32),
            pltpu.SemaphoreType.DMA((_NBUF,)),
        ],
    )
    def run(table_hbm, i_hbm, w_hbm, o_hbm, bufs, shared, sem):
        sid = lax.axis_index("subcore")

        def spmem_copy(buf):
            return pltpu.make_async_copy(
                bufs.at[buf], shared.at[sid], sem.at[buf]
            )

        for j in range(_NBUF):
            spmem_copy(j).start()

        @pl.loop(_NBUF, nsteps, step=_NBUF)
        def _(c0):
            for j in range(_NBUF):
                spmem_copy(j).wait()
                spmem_copy(j).start()

        for j in range(_NBUF):
            spmem_copy(j).wait()

    out = run(table, input_ids.astype(jnp.int32), weights)
    return out.reshape(B, S, D)

# --- scband reference (transcript-rebuilt; emitter-appended) ---
"""Pipeline reference for scband-embedding-layer-81149112090948 (READ-ONLY COPY).

The authoritative reference and input builder live on the scoring server;
editing this copy changes nothing except your own understanding.
"""

import jax, jax.numpy as jnp
import numpy as np

VOCAB = 100000
DIM = 128
BATCH = 4096
SEQ = 200

def setup_inputs(seed: int = 0) -> dict:
    key = jax.random.key(seed)
    k1, k2, k3 = jax.random.split(key, 3)
    input_ids = jax.random.randint(k1, (BATCH, SEQ), 0, VOCAB, dtype=jnp.int64)
    weights = jax.random.uniform(k2, (BATCH, SEQ), dtype=jnp.float32)
    table = jax.random.normal(k3, (VOCAB, DIM), dtype=jnp.float32) * 0.01
    return {"input_ids": input_ids, "weights": weights, "table": table}

def reference(input_ids, weights, table):
    # embedding lookup: table[input_ids] -> [B, S, D]
    embeddings = jnp.take(table, input_ids, axis=0)
    # weights has same rank as input_ids -> unsqueeze last dim
    w = weights[..., None]
    embeddings = embeddings * w
    return embeddings

if __name__ == "__main__":
    import jax
    _d = setup_inputs()
    print(jax.jit(kernel)(*tuple(_d.values())))

</pallas_src>

<mosaic_0001>
#map = affine_map<(d0, d1) -> (0, 0)>
module attributes {stable_mosaic.version = 14 : i64} {
  func.func @run(%arg0: i32, %arg1: i32, %arg2: memref<100000x128xf32, #tpu.memory_space<hbm>>, %arg3: memref<4096x200xi32, #tpu.memory_space<hbm>>, %arg4: memref<4096x200xf32, #tpu.memory_space<hbm>>, %arg5: memref<819200x128xf32, #tpu.memory_space<hbm>>, %arg6: memref<2x128x128xf32, #tpu.memory_space<vmem>>, %arg7: memref<16x128x128xf32, #tpu.memory_space<vmem_shared>>, %arg8: memref<2x!tpu.dma_semaphore, #tpu.memory_space<semaphore_mem>>) attributes {dimension_semantics = [#tpu.dimension_semantics<core_parallel>, #tpu.dimension_semantics<subcore_parallel>], iteration_bounds = array<i64: 2, 16>, scalar_prefetch = 0 : i64, scratch_operands = 3 : i64, tpu.core_type = #tpu.core_type<sc_vector_subcore>, window_params = [{transform_indices = #map}, {transform_indices = #map}, {transform_indices = #map}, {transform_indices = #map}]} {
    %dma_start3A = arith.constant 0 : i32
    %dma_start3A_0 = arith.constant 0 : i32
    %dma_start3A_1 = arith.constant 0 : i32
    %dma_start3A_2 = arith.constant 0 : i32
    %dma_start3A_3 = tpu.memref_slice %arg6[%dma_start3A, %dma_start3A_1, %dma_start3A_2] : memref<2x128x128xf32, #tpu.memory_space<vmem>> -> memref<1x128x128xf32, #tpu.memory_space<vmem>>
    %dma_start3A_4 = tpu.memref_squeeze %dma_start3A_3 : memref<1x128x128xf32, #tpu.memory_space<vmem>> -> memref<128x128xf32, #tpu.memory_space<vmem>>
    %dma_start3A_5 = arith.constant 0 : i32
    %dma_start3A_6 = arith.constant 0 : i32
    %dma_start3A_7 = tpu.memref_slice %arg7[%arg1, %dma_start3A_5, %dma_start3A_6] : memref<16x128x128xf32, #tpu.memory_space<vmem_shared>> -> memref<1x128x128xf32, #tpu.memory_space<vmem_shared>>
    %dma_start3A_8 = tpu.memref_squeeze %dma_start3A_7 : memref<1x128x128xf32, #tpu.memory_space<vmem_shared>> -> memref<128x128xf32, #tpu.memory_space<vmem_shared>>
    %dma_start3A_9 = tpu.memref_slice %arg8[%dma_start3A_0] : memref<2x!tpu.dma_semaphore, #tpu.memory_space<semaphore_mem>> -> memref<1x!tpu.dma_semaphore, #tpu.memory_space<semaphore_mem>>
    %dma_start3A_10 = tpu.memref_squeeze %dma_start3A_9 : memref<1x!tpu.dma_semaphore, #tpu.memory_space<semaphore_mem>> -> memref<!tpu.dma_semaphore, #tpu.memory_space<semaphore_mem>>
    %dma_start3A_11 = arith.constant 0 : i32
    %dma_start3A_12 = arith.constant 0 : i32
    %dma_start3A_13 = tpu.memref_slice %arg7[%arg1, %dma_start3A_11, %dma_start3A_12] : memref<16x128x128xf32, #tpu.memory_space<vmem_shared>> -> memref<1x128x128xf32, #tpu.memory_space<vmem_shared>>
    %dma_start3A_14 = tpu.memref_squeeze %dma_start3A_13 : memref<1x128x128xf32, #tpu.memory_space<vmem_shared>> -> memref<128x128xf32, #tpu.memory_space<vmem_shared>>
    %dma_start3A_15 = arith.constant 0 : i32
    %dma_start3A_16 = arith.constant 0 : i32
    %dma_start3A_17 = tpu.memref_slice %arg6[%dma_start3A, %dma_start3A_15, %dma_start3A_16] : memref<2x128x128xf32, #tpu.memory_space<vmem>> -> memref<1x128x128xf32, #tpu.memory_space<vmem>>
    %dma_start3A_18 = tpu.memref_squeeze %dma_start3A_17 : memref<1x128x128xf32, #tpu.memory_space<vmem>> -> memref<128x128xf32, #tpu.memory_space<vmem>>
    tpu.enqueue_dma source(%dma_start3A_18 : memref<128x128xf32, #tpu.memory_space<vmem>>) target(%dma_start3A_14 : memref<128x128xf32, #tpu.memory_space<vmem_shared>>) target_semaphore(%dma_start3A_10 : memref<!tpu.dma_semaphore, #tpu.memory_space<semaphore_mem>>)
    %dma_start3A_19 = arith.constant 1 : i32
    %dma_start3A_20 = arith.constant 1 : i32
    %dma_start3A_21 = arith.constant 0 : i32
    %dma_start3A_22 = arith.constant 0 : i32
    %dma_start3A_23 = tpu.memref_slice %arg6[%dma_start3A_19, %dma_start3A_21, %dma_start3A_22] : memref<2x128x128xf32, #tpu.memory_space<vmem>> -> memref<1x128x128xf32, #tpu.memory_space<vmem>>
    %dma_start3A_24 = tpu.memref_squeeze %dma_start3A_23 : memref<1x128x128xf32, #tpu.memory_space<vmem>> -> memref<128x128xf32, #tpu.memory_space<vmem>>
    %dma_start3A_25 = arith.constant 0 : i32
    %dma_start3A_26 = arith.constant 0 : i32
    %dma_start3A_27 = tpu.memref_slice %arg7[%arg1, %dma_start3A_25, %dma_start3A_26] : memref<16x128x128xf32, #tpu.memory_space<vmem_shared>> -> memref<1x128x128xf32, #tpu.memory_space<vmem_shared>>
    %dma_start3A_28 = tpu.memref_squeeze %dma_start3A_27 : memref<1x128x128xf32, #tpu.memory_space<vmem_shared>> -> memref<128x128xf32, #tpu.memory_space<vmem_shared>>
    %dma_start3A_29 = tpu.memref_slice %arg8[%dma_start3A_20] : memref<2x!tpu.dma_semaphore, #tpu.memory_space<semaphore_mem>> -> memref<1x!tpu.dma_semaphore, #tpu.memory_space<semaphore_mem>>
    %dma_start3A_30 = tpu.memref_squeeze %dma_start3A_29 : memref<1x!tpu.dma_semaphore, #tpu.memory_space<semaphore_mem>> -> memref<!tpu.dma_semaphore, #tpu.memory_space<semaphore_mem>>
    %dma_start3A_31 = arith.constant 0 : i32
    %dma_start3A_32 = arith.constant 0 : i32
    %dma_start3A_33 = tpu.memref_slice %arg7[%arg1, %dma_start3A_31, %dma_start3A_32] : memref<16x128x128xf32, #tpu.memory_space<vmem_shared>> -> memref<1x128x128xf32, #tpu.memory_space<vmem_shared>>
    %dma_start3A_34 = tpu.memref_squeeze %dma_start3A_33 : memref<1x128x128xf32, #tpu.memory_space<vmem_shared>> -> memref<128x128xf32, #tpu.memory_space<vmem_shared>>
    %dma_start3A_35 = arith.constant 0 : i32
    %dma_start3A_36 = arith.constant 0 : i32
    %dma_start3A_37 = tpu.memref_slice %arg6[%dma_start3A_19, %dma_start3A_35, %dma_start3A_36] : memref<2x128x128xf32, #tpu.memory_space<vmem>> -> memref<1x128x128xf32, #tpu.memory_space<vmem>>
    %dma_start3A_38 = tpu.memref_squeeze %dma_start3A_37 : memref<1x128x128xf32, #tpu.memory_space<vmem>> -> memref<128x128xf32, #tpu.memory_space<vmem>>
    tpu.enqueue_dma source(%dma_start3A_38 : memref<128x128xf32, #tpu.memory_space<vmem>>) target(%dma_start3A_34 : memref<128x128xf32, #tpu.memory_space<vmem_shared>>) target_semaphore(%dma_start3A_30 : memref<!tpu.dma_semaphore, #tpu.memory_space<semaphore_mem>>)
    %scan3A = arith.constant 0 : i32
    %scan3A_39 = arith.constant 99 : i32
    %scan3A_40 = arith.addi %scan3A, %scan3A_39 : i32
    %scan3A_41 = arith.constant 1 : i32
    scf.for %scan3A_82 = %scan3A to %scan3A_40 step %scan3A_41  : i32 {
      %mul3A = arith.constant 2 : i32
      %mul3A_83 = arith.muli %scan3A_82, %mul3A : i32
      %add3A = arith.constant 2 : i32
      %add3A_84 = arith.addi %add3A, %mul3A_83 : i32
      %dma_wait3A_85 = arith.constant 0 : i32
      %dma_wait3A_86 = arith.constant 0 : i32
      %dma_wait3A_87 = arith.constant 0 : i32
      %dma_wait3A_88 = arith.constant 0 : i32
      %dma_wait3A_89 = tpu.memref_slice %arg6[%dma_wait3A_85, %dma_wait3A_87, %dma_wait3A_88] : memref<2x128x128xf32, #tpu.memory_space<vmem>> -> memref<1x128x128xf32, #tpu.memory_space<vmem>>
      %dma_wait3A_90 = tpu.memref_squeeze %dma_wait3A_89 : memref<1x128x128xf32, #tpu.memory_space<vmem>> -> memref<128x128xf32, #tpu.memory_space<vmem>>
      %dma_wait3A_91 = arith.constant 0 : i32
      %dma_wait3A_92 = arith.constant 0 : i32
      %dma_wait3A_93 = tpu.memref_slice %arg7[%arg1, %dma_wait3A_91, %dma_wait3A_92] : memref<16x128x128xf32, #tpu.memory_space<vmem_shared>> -> memref<1x128x128xf32, #tpu.memory_space<vmem_shared>>
      %dma_wait3A_94 = tpu.memref_squeeze %dma_wait3A_93 : memref<1x128x128xf32, #tpu.memory_space<vmem_shared>> -> memref<128x128xf32, #tpu.memory_space<vmem_shared>>
      %dma_wait3A_95 = tpu.memref_slice %arg8[%dma_wait3A_86] : memref<2x!tpu.dma_semaphore, #tpu.memory_space<semaphore_mem>> -> memref<1x!tpu.dma_semaphore, #tpu.memory_space<semaphore_mem>>
      %dma_wait3A_96 = tpu.memref_squeeze %dma_wait3A_95 : memref<1x!tpu.dma_semaphore, #tpu.memory_space<semaphore_mem>> -> memref<!tpu.dma_semaphore, #tpu.memory_space<semaphore_mem>>
      %dma_wait3A_97 = arith.constant 0 : i32
      %dma_wait3A_98 = arith.constant 0 : i32
      %dma_wait3A_99 = tpu.memref_slice %arg7[%arg1, %dma_wait3A_97, %dma_wait3A_98] : memref<16x128x128xf32, #tpu.memory_space<vmem_shared>> -> memref<1x128x128xf32, #tpu.memory_space<vmem_shared>>
      %dma_wait3A_100 = tpu.memref_squeeze %dma_wait3A_99 : memref<1x128x128xf32, #tpu.memory_space<vmem_shared>> -> memref<128x128xf32, #tpu.memory_space<vmem_shared>>
      %dma_wait3A_101 = arith.constant 0 : i32
      %dma_wait3A_102 = arith.constant 0 : i32
      %dma_wait3A_103 = tpu.memref_slice %arg6[%dma_wait3A_85, %dma_wait3A_101, %dma_wait3A_102] : memref<2x128x128xf32, #tpu.memory_space<vmem>> -> memref<1x128x128xf32, #tpu.memory_space<vmem>>
      %dma_wait3A_104 = tpu.memref_squeeze %dma_wait3A_103 : memref<1x128x128xf32, #tpu.memory_space<vmem>> -> memref<128x128xf32, #tpu.memory_space<vmem>>
      tpu.wait_dma2 semaphore(%dma_wait3A_96 : memref<!tpu.dma_semaphore, #tpu.memory_space<semaphore_mem>>) src(%dma_wait3A_104 : memref<128x128xf32, #tpu.memory_space<vmem>>) dst(%dma_wait3A_100 : memref<128x128xf32, #tpu.memory_space<vmem_shared>>)
      %dma_start3A_105 = arith.constant 0 : i32
      %dma_start3A_106 = arith.constant 0 : i32
      %dma_start3A_107 = arith.constant 0 : i32
      %dma_start3A_108 = arith.constant 0 : i32
      %dma_start3A_109 = tpu.memref_slice %arg6[%dma_start3A_105, %dma_start3A_107, %dma_start3A_108] : memref<2x128x128xf32, #tpu.memory_space<vmem>> -> memref<1x128x128xf32, #tpu.memory_space<vmem>>
      %dma_start3A_110 = tpu.memref_squeeze %dma_start3A_109 : memref<1x128x128xf32, #tpu.memory_space<vmem>> -> memref<128x128xf32, #tpu.memory_space<vmem>>
      %dma_start3A_111 = arith.constant 0 : i32
      %dma_start3A_112 = arith.constant 0 : i32
      %dma_start3A_113 = tpu.memref_slice %arg7[%arg1, %dma_start3A_111, %dma_start3A_112] : memref<16x128x128xf32, #tpu.memory_space<vmem_shared>> -> memref<1x128x128xf32, #tpu.memory_space<vmem_shared>>
      %dma_start3A_114 = tpu.memref_squeeze %dma_start3A_113 : memref<1x128x128xf32, #tpu.memory_space<vmem_shared>> -> memref<128x128xf32, #tpu.memory_space<vmem_shared>>
      %dma_start3A_115 = tpu.memref_slice %arg8[%dma_start3A_106] : memref<2x!tpu.dma_semaphore, #tpu.memory_space<semaphore_mem>> -> memref<1x!tpu.dma_semaphore, #tpu.memory_space<semaphore_mem>>
      %dma_start3A_116 = tpu.memref_squeeze %dma_start3A_115 : memref<1x!tpu.dma_semaphore, #tpu.memory_space<semaphore_mem>> -> memref<!tpu.dma_semaphore, #tpu.memory_space<semaphore_mem>>
      %dma_start3A_117 = arith.constant 0 : i32
      %dma_start3A_118 = arith.constant 0 : i32
      %dma_start3A_119 = tpu.memref_slice %arg7[%arg1, %dma_start3A_117, %dma_start3A_118] : memref<16x128x128xf32, #tpu.memory_space<vmem_shared>> -> memref<1x128x128xf32, #tpu.memory_space<vmem_shared>>
      %dma_start3A_120 = tpu.memref_squeeze %dma_start3A_119 : memref<1x128x128xf32, #tpu.memory_space<vmem_shared>> -> memref<128x128xf32, #tpu.memory_space<vmem_shared>>
      %dma_start3A_121 = arith.constant 0 : i32
      %dma_start3A_122 = arith.constant 0 : i32
      %dma_start3A_123 = tpu.memref_slice %arg6[%dma_start3A_105, %dma_start3A_121, %dma_start3A_122] : memref<2x128x128xf32, #tpu.memory_space<vmem>> -> memref<1x128x128xf32, #tpu.memory_space<vmem>>
      %dma_start3A_124 = tpu.memref_squeeze %dma_start3A_123 : memref<1x128x128xf32, #tpu.memory_space<vmem>> -> memref<128x128xf32, #tpu.memory_space<vmem>>
      tpu.enqueue_dma source(%dma_start3A_124 : memref<128x128xf32, #tpu.memory_space<vmem>>) target(%dma_start3A_120 : memref<128x128xf32, #tpu.memory_space<vmem_shared>>) target_semaphore(%dma_start3A_116 : memref<!tpu.dma_semaphore, #tpu.memory_space<semaphore_mem>>)
      %dma_wait3A_125 = arith.constant 1 : i32
      %dma_wait3A_126 = arith.constant 1 : i32
      %dma_wait3A_127 = arith.constant 0 : i32
      %dma_wait3A_128 = arith.constant 0 : i32
      %dma_wait3A_129 = tpu.memref_slice %arg6[%dma_wait3A_125, %dma_wait3A_127, %dma_wait3A_128] : memref<2x128x128xf32, #tpu.memory_space<vmem>> -> memref<1x128x128xf32, #tpu.memory_space<vmem>>
      %dma_wait3A_130 = tpu.memref_squeeze %dma_wait3A_129 : memref<1x128x128xf32, #tpu.memory_space<vmem>> -> memref<128x128xf32, #tpu.memory_space<vmem>>
      %dma_wait3A_131 = arith.constant 0 : i32
      %dma_wait3A_132 = arith.constant 0 : i32
      %dma_wait3A_133 = tpu.memref_slice %arg7[%arg1, %dma_wait3A_131, %dma_wait3A_132] : memref<16x128x128xf32, #tpu.memory_space<vmem_shared>> -> memref<1x128x128xf32, #tpu.memory_space<vmem_shared>>
      %dma_wait3A_134 = tpu.memref_squeeze %dma_wait3A_133 : memref<1x128x128xf32, #tpu.memory_space<vmem_shared>> -> memref<128x128xf32, #tpu.memory_space<vmem_shared>>
      %dma_wait3A_135 = tpu.memref_slice %arg8[%dma_wait3A_126] : memref<2x!tpu.dma_semaphore, #tpu.memory_space<semaphore_mem>> -> memref<1x!tpu.dma_semaphore, #tpu.memory_space<semaphore_mem>>
      %dma_wait3A_136 = tpu.memref_squeeze %dma_wait3A_135 : memref<1x!tpu.dma_semaphore, #tpu.memory_space<semaphore_mem>> -> memref<!tpu.dma_semaphore, #tpu.memory_space<semaphore_mem>>
      %dma_wait3A_137 = arith.constant 0 : i32
      %dma_wait3A_138 = arith.constant 0 : i32
      %dma_wait3A_139 = tpu.memref_slice %arg7[%arg1, %dma_wait3A_137, %dma_wait3A_138] : memref<16x128x128xf32, #tpu.memory_space<vmem_shared>> -> memref<1x128x128xf32, #tpu.memory_space<vmem_shared>>
      %dma_wait3A_140 = tpu.memref_squeeze %dma_wait3A_139 : memref<1x128x128xf32, #tpu.memory_space<vmem_shared>> -> memref<128x128xf32, #tpu.memory_space<vmem_shared>>
      %dma_wait3A_141 = arith.constant 0 : i32
      %dma_wait3A_142 = arith.constant 0 : i32
      %dma_wait3A_143 = tpu.memref_slice %arg6[%dma_wait3A_125, %dma_wait3A_141, %dma_wait3A_142] : memref<2x128x128xf32, #tpu.memory_space<vmem>> -> memref<1x128x128xf32, #tpu.memory_space<vmem>>
      %dma_wait3A_144 = tpu.memref_squeeze %dma_wait3A_143 : memref<1x128x128xf32, #tpu.memory_space<vmem>> -> memref<128x128xf32, #tpu.memory_space<vmem>>
      tpu.wait_dma2 semaphore(%dma_wait3A_136 : memref<!tpu.dma_semaphore, #tpu.memory_space<semaphore_mem>>) src(%dma_wait3A_144 : memref<128x128xf32, #tpu.memory_space<vmem>>) dst(%dma_wait3A_140 : memref<128x128xf32, #tpu.memory_space<vmem_shared>>)
      %dma_start3A_145 = arith.constant 1 : i32
      %dma_start3A_146 = arith.constant 1 : i32
      %dma_start3A_147 = arith.constant 0 : i32
      %dma_start3A_148 = arith.constant 0 : i32
      %dma_start3A_149 = tpu.memref_slice %arg6[%dma_start3A_145, %dma_start3A_147, %dma_start3A_148] : memref<2x128x128xf32, #tpu.memory_space<vmem>> -> memref<1x128x128xf32, #tpu.memory_space<vmem>>
      %dma_start3A_150 = tpu.memref_squeeze %dma_start3A_149 : memref<1x128x128xf32, #tpu.memory_space<vmem>> -> memref<128x128xf32, #tpu.memory_space<vmem>>
      %dma_start3A_151 = arith.constant 0 : i32
      %dma_start3A_152 = arith.constant 0 : i32
      %dma_start3A_153 = tpu.memref_slice %arg7[%arg1, %dma_start3A_151, %dma_start3A_152] : memref<16x128x128xf32, #tpu.memory_space<vmem_shared>> -> memref<1x128x128xf32, #tpu.memory_space<vmem_shared>>
      %dma_start3A_154 = tpu.memref_squeeze %dma_start3A_153 : memref<1x128x128xf32, #tpu.memory_space<vmem_shared>> -> memref<128x128xf32, #tpu.memory_space<vmem_shared>>
      %dma_start3A_155 = tpu.memref_slice %arg8[%dma_start3A_146] : memref<2x!tpu.dma_semaphore, #tpu.memory_space<semaphore_mem>> -> memref<1x!tpu.dma_semaphore, #tpu.memory_space<semaphore_mem>>
      %dma_start3A_156 = tpu.memref_squeeze %dma_start3A_155 : memref<1x!tpu.dma_semaphore, #tpu.memory_space<semaphore_mem>> -> memref<!tpu.dma_semaphore, #tpu.memory_space<semaphore_mem>>
      %dma_start3A_157 = arith.constant 0 : i32
      %dma_start3A_158 = arith.constant 0 : i32
      %dma_start3A_159 = tpu.memref_slice %arg7[%arg1, %dma_start3A_157, %dma_start3A_158] : memref<16x128x128xf32, #tpu.memory_space<vmem_shared>> -> memref<1x128x128xf32, #tpu.memory_space<vmem_shared>>
      %dma_start3A_160 = tpu.memref_squeeze %dma_start3A_159 : memref<1x128x128xf32, #tpu.memory_space<vmem_shared>> -> memref<128x128xf32, #tpu.memory_space<vmem_shared>>
      %dma_start3A_161 = arith.constant 0 : i32
      %dma_start3A_162 = arith.constant 0 : i32
      %dma_start3A_163 = tpu.memref_slice %arg6[%dma_start3A_145, %dma_start3A_161, %dma_start3A_162] : memref<2x128x128xf32, #tpu.memory_space<vmem>> -> memref<1x128x128xf32, #tpu.memory_space<vmem>>
      %dma_start3A_164 = tpu.memref_squeeze %dma_start3A_163 : memref<1x128x128xf32, #tpu.memory_space<vmem>> -> memref<128x128xf32, #tpu.memory_space<vmem>>
      tpu.enqueue_dma source(%dma_start3A_164 : memref<128x128xf32, #tpu.memory_space<vmem>>) target(%dma_start3A_160 : memref<128x128xf32, #tpu.memory_space<vmem_shared>>) target_semaphore(%dma_start3A_156 : memref<!tpu.dma_semaphore, #tpu.memory_space<semaphore_mem>>)
    }
    %scan3A_42 = arith.constant 99 : i32
    %dma_wait3A = arith.constant 0 : i32
    %dma_wait3A_43 = arith.constant 0 : i32
    %dma_wait3A_44 = arith.constant 0 : i32
    %dma_wait3A_45 = arith.constant 0 : i32
    %dma_wait3A_46 = tpu.memref_slice %arg6[%dma_wait3A, %dma_wait3A_44, %dma_wait3A_45] : memref<2x128x128xf32, #tpu.memory_space<vmem>> -> memref<1x128x128xf32, #tpu.memory_space<vmem>>
    %dma_wait3A_47 = tpu.memref_squeeze %dma_wait3A_46 : memref<1x128x128xf32, #tpu.memory_space<vmem>> -> memref<128x128xf32, #tpu.memory_space<vmem>>
    %dma_wait3A_48 = arith.constant 0 : i32
    %dma_wait3A_49 = arith.constant 0 : i32
    %dma_wait3A_50 = tpu.memref_slice %arg7[%arg1, %dma_wait3A_48, %dma_wait3A_49] : memref<16x128x128xf32, #tpu.memory_space<vmem_shared>> -> memref<1x128x128xf32, #tpu.memory_space<vmem_shared>>
    %dma_wait3A_51 = tpu.memref_squeeze %dma_wait3A_50 : memref<1x128x128xf32, #tpu.memory_space<vmem_shared>> -> memref<128x128xf32, #tpu.memory_space<vmem_shared>>
    %dma_wait3A_52 = tpu.memref_slice %arg8[%dma_wait3A_43] : memref<2x!tpu.dma_semaphore, #tpu.memory_space<semaphore_mem>> -> memref<1x!tpu.dma_semaphore, #tpu.memory_space<semaphore_mem>>
    %dma_wait3A_53 = tpu.memref_squeeze %dma_wait3A_52 : memref<1x!tpu.dma_semaphore, #tpu.memory_space<semaphore_mem>> -> memref<!tpu.dma_semaphore, #tpu.memory_space<semaphore_mem>>
    %dma_wait3A_54 = arith.constant 0 : i32
    %dma_wait3A_55 = arith.constant 0 : i32
    %dma_wait3A_56 = tpu.memref_slice %arg7[%arg1, %dma_wait3A_54, %dma_wait3A_55] : memref<16x128x128xf32, #tpu.memory_space<vmem_shared>> -> memref<1x128x128xf32, #tpu.memory_space<vmem_shared>>
    %dma_wait3A_57 = tpu.memref_squeeze %dma_wait3A_56 : memref<1x128x128xf32, #tpu.memory_space<vmem_shared>> -> memref<128x128xf32, #tpu.memory_space<vmem_shared>>
    %dma_wait3A_58 = arith.constant 0 : i32
    %dma_wait3A_59 = arith.constant 0 : i32
    %dma_wait3A_60 = tpu.memref_slice %arg6[%dma_wait3A, %dma_wait3A_58, %dma_wait3A_59] : memref<2x128x128xf32, #tpu.memory_space<vmem>> -> memref<1x128x128xf32, #tpu.memory_space<vmem>>
    %dma_wait3A_61 = tpu.memref_squeeze %dma_wait3A_60 : memref<1x128x128xf32, #tpu.memory_space<vmem>> -> memref<128x128xf32, #tpu.memory_space<vmem>>
    tpu.wait_dma2 semaphore(%dma_wait3A_53 : memref<!tpu.dma_semaphore, #tpu.memory_space<semaphore_mem>>) src(%dma_wait3A_61 : memref<128x128xf32, #tpu.memory_space<vmem>>) dst(%dma_wait3A_57 : memref<128x128xf32, #tpu.memory_space<vmem_shared>>)
    %dma_wait3A_62 = arith.constant 1 : i32
    %dma_wait3A_63 = arith.constant 1 : i32
    %dma_wait3A_64 = arith.constant 0 : i32
    %dma_wait3A_65 = arith.constant 0 : i32
    %dma_wait3A_66 = tpu.memref_slice %arg6[%dma_wait3A_62, %dma_wait3A_64, %dma_wait3A_65] : memref<2x128x128xf32, #tpu.memory_space<vmem>> -> memref<1x128x128xf32, #tpu.memory_space<vmem>>
    %dma_wait3A_67 = tpu.memref_squeeze %dma_wait3A_66 : memref<1x128x128xf32, #tpu.memory_space<vmem>> -> memref<128x128xf32, #tpu.memory_space<vmem>>
    %dma_wait3A_68 = arith.constant 0 : i32
    %dma_wait3A_69 = arith.constant 0 : i32
    %dma_wait3A_70 = tpu.memref_slice %arg7[%arg1, %dma_wait3A_68, %dma_wait3A_69] : memref<16x128x128xf32, #tpu.memory_space<vmem_shared>> -> memref<1x128x128xf32, #tpu.memory_space<vmem_shared>>
    %dma_wait3A_71 = tpu.memref_squeeze %dma_wait3A_70 : memref<1x128x128xf32, #tpu.memory_space<vmem_shared>> -> memref<128x128xf32, #tpu.memory_space<vmem_shared>>
    %dma_wait3A_72 = tpu.memref_slice %arg8[%dma_wait3A_63] : memref<2x!tpu.dma_semaphore, #tpu.memory_space<semaphore_mem>> -> memref<1x!tpu.dma_semaphore, #tpu.memory_space<semaphore_mem>>
    %dma_wait3A_73 = tpu.memref_squeeze %dma_wait3A_72 : memref<1x!tpu.dma_semaphore, #tpu.memory_space<semaphore_mem>> -> memref<!tpu.dma_semaphore, #tpu.memory_space<semaphore_mem>>
    %dma_wait3A_74 = arith.constant 0 : i32
    %dma_wait3A_75 = arith.constant 0 : i32
    %dma_wait3A_76 = tpu.memref_slice %arg7[%arg1, %dma_wait3A_74, %dma_wait3A_75] : memref<16x128x128xf32, #tpu.memory_space<vmem_shared>> -> memref<1x128x128xf32, #tpu.memory_space<vmem_shared>>
    %dma_wait3A_77 = tpu.memref_squeeze %dma_wait3A_76 : memref<1x128x128xf32, #tpu.memory_space<vmem_shared>> -> memref<128x128xf32, #tpu.memory_space<vmem_shared>>
    %dma_wait3A_78 = arith.constant 0 : i32
    %dma_wait3A_79 = arith.constant 0 : i32
    %dma_wait3A_80 = tpu.memref_slice %arg6[%dma_wait3A_62, %dma_wait3A_78, %dma_wait3A_79] : memref<2x128x128xf32, #tpu.memory_space<vmem>> -> memref<1x128x128xf32, #tpu.memory_space<vmem>>
    %dma_wait3A_81 = tpu.memref_squeeze %dma_wait3A_80 : memref<1x128x128xf32, #tpu.memory_space<vmem>> -> memref<128x128xf32, #tpu.memory_space<vmem>>
    tpu.wait_dma2 semaphore(%dma_wait3A_73 : memref<!tpu.dma_semaphore, #tpu.memory_space<semaphore_mem>>) src(%dma_wait3A_81 : memref<128x128xf32, #tpu.memory_space<vmem>>) dst(%dma_wait3A_77 : memref<128x128xf32, #tpu.memory_space<vmem_shared>>)
    return
  }
}

</mosaic_0001>

<sc_bundles>
// kernel: kernel.3.cloned.1.call-start
scs
__scs_entry_jumppad:
0x0: {  	(pc) =	sbr.rel $0x88, $3  }
0x1: {  	(tag) =	ssettag $0x0;
	lr =	simm.s32 $0x1  }
0x2: {  	[smem:$0x3F9E] =	sst lr;
	_ =	strace $0xD0000000  }
0x3: {  	_ = 	snop  }
0x4: {  	_ = 	snop  }
0x5: {  	_ = 	snop  }
0x6: {  	_ = 	snop  }
0x7: {  	_ = 	snop  }
__scs_overlays_trampoline_lowered:
0x8: {  	[smem:$0x3FAD] =	sst s0  }
0x9: {  	[smem:$0x3FAE] =	sst s1  }
0xa: {  	[smem:$0x3FAF] =	sst s2  }
0xb: {  	[smem:$0x3FB0] =	sst s3  }
0xc: {  	[smem:$0x3FB1] =	sst s4  }
0xd: {  	[smem:$0x3FB2] =	sst s5  }
0xe: {  	[smem:$0x3FB3] =	sst s6  }
0xf: {  	[smem:$0x3FB4] =	sst s7  }
0x10: {  	[smem:$0x3FB5] =	sst s8  }
0x11: {  	[smem:$0x3FB6] =	sst s9;
	s0 =	simm.s32 @!p0 $0x0  }
0x12: {  	s1 =	sld [smem:$0x3F9C];
	s0 =	simm.s32 @p0 $0x1  }
0x13: {  	[smem:$0x3FB7] =	sst s0;
	s0 =	simm.s32 @!p1 $0x0  }
0x14: {  	s2 =	sld [smem:$0x3F9B];
	s0 =	simm.s32 @p1 $0x1  }
0x15: {  	[smem:$0x3FB8] =	sst s0;
	s0 =	simm.s32 @!p2 $0x0  }
0x16: {  	s3 =	sld [smem:$0x3FDB];
	s0 =	simm.s32 @p2 $0x1  }
0x17: {  	s4 =	simm.s32 $0x1BF5;
	[smem:$0x3FBA] =	sst s0  }
0x18: {  	s0 =	sld [smem:$0x3F9D];
	_ =	swait.ge [sflag:s4], $0x0  }
0x19: {  	s7 =	sld [smem:$0x3F9E]  }
0x1a: {  	s8 =	sadd.s32 $0xFFFFE003, lr  }
0x1b: {  	s9 =	sadd.s32 $0xFFFFFEF7, lr;
	s5 =	simm.s32 $0xFFFFFFFF;
	p2 =	slt.u32 s8, $0xFFFFF086  }
0x1c: {  	p1 =	slt.u32 s9, $0xF7A;
	s5 =	simm.s32 @!p2 $0x0  }
0x1d: {  	s5 =	simm.s32 @p1 $0x1;
	p0 =	seq.s32 s7, s2  }
0x1e: {  	s7 =	smul.u32 @!p0 $0xF7A, s2;
	p2 =	seq.s32 @!p0 s5, $0x0  }
0x1f: {  	s9 =	smul.u32 $0xF7A, s1;
	s8 =	simm.s32 @!p0 $0x1BF5;
	p2 =	por !p2, p0  }
0x20: {  	[sflag:s8] =	ssyncset.s32 @!p0 $0xFFFFF086;
	s6 =	sadd.s32 @!p0 s3, s7;
	s7 =	simm.s32 @!p0 $0x108  }
0x21: {  	s3 =	sadd.s32 s3, s9;
	s6 =	sadd.s32 @!p0 $0x88, s6;
	s7 =	simm.s32 @p2 $0x1082  }
0x22: {  	[simem:s7], [sflag:s8] =	dma.local @!p0 [hbm:s6], $0xF7A  }
0x23: {  	s9 =	sor.u32 $0xD0000000, s2;
	s6 =	simm.s32 $0x108;
	_ =	swait.ge @!p0 [sflag:s8], $0x0  }
0x24: {  	s3 =	sadd.s32 $0x88, s3;
	s6 =	simm.s32 @!p1 $0x1082;
	[sflag:s4] =	ssyncset.s32 $0xFFFFF086  }
0x25: {  	[simem:s6], [sflag:s4] =	dma.local [hbm:s3], $0xF7A  }
0x26: {  	[smem:$0x3F9E] =	sst s1;
	(tag) =	ssettag s2;
	_ =	strace s9  }
0x27: {  	s1 =	sld [smem:$0x3FAE]  }
0x28: {  	s2 =	sld [smem:$0x3FAF]  }
0x29: {  	s4 =	sld [smem:$0x3FB1]  }
0x2a: {  	p0 =	seq.s32 s5, $0x0;
	s5 =	sld [smem:$0x3FB2]  }
0x2b: {  	s6 =	sld [smem:$0x3FB3]  }
0x2c: {  	s7 =	sld [smem:$0x3FB4]  }
0x2d: {  	s3 =	simm.s32 $0x108;
	s8 =	sld [smem:$0x3FB5]  }
0x2e: {  	s3 =	simm.s32 @!p0 $0x1082;
	s9 =	sld [smem:$0x3FB6]  }
0x2f: {  	lr =	sadd.s32 s0, s3;
	s0 =	sld [smem:$0x3FAD]  }
0x30: {  	s3 =	sld [smem:$0x3FB0]  }
0x31: {  	[smem:$0x3FB9] =	sst s10  }
0x32: {  	s10 =	sld [smem:$0x3FB7];
	_ =	sdelay $0x3  }
0x33: {  	p0 =	seq.s32 s10, $0x1;
	s10 =	sld [smem:$0x3FB9];
	_ =	sdelay $0x3  }
0x34: {  	[smem:$0x3FB9] =	sst s10  }
0x35: {  	s10 =	sld [smem:$0x3FB8];
	_ =	sdelay $0x3  }
0x36: {  	p1 =	seq.s32 s10, $0x1;
	s10 =	sld [smem:$0x3FB9];
	_ =	sdelay $0x3  }
0x37: {  	[smem:$0x3FB9] =	sst s10  }
0x38: {  	s10 =	sld [smem:$0x3FBA]  }
0x39: {  	_ = 	snop;
	(pc) =	sbr.ind lr, $3  }
0x3a: {  	_ = 	snop  }
0x3b: {  	_ = 	snop  }
0x3c: {  	p2 =	seq.s32 s10, $0x1;
	s10 =	sld [smem:$0x3FB9]  }
0x3d: {  	_ =	shalt  }
0x3e: {  	_ =	shalt  }
0x3f: {  	_ =	shalt  }
0x40: {  	_ =	shalt  }
0x41: {  	_ =	shalt  }
0x42: {  	_ =	shalt  }
0x43: {  	_ =	shalt  }
0x44: {  	_ =	shalt  }
0x45: {  	_ =	shalt  }
0x46: {  	_ =	shalt  }
0x47: {  	_ =	shalt  }
0x48: {  	_ =	shalt  }
0x49: {  	_ =	shalt  }
0x4a: {  	_ =	shalt  }
0x4b: {  	_ =	shalt  }
0x4c: {  	_ =	shalt  }
0x4d: {  	_ =	shalt  }
0x4e: {  	_ =	shalt  }
0x4f: {  	_ =	shalt  }
0x50: {  	_ =	shalt  }
0x51: {  	_ =	shalt  }
0x52: {  	_ =	shalt  }
0x53: {  	_ =	shalt  }
0x54: {  	_ =	shalt  }
0x55: {  	_ =	shalt  }
0x56: {  	_ =	shalt  }
0x57: {  	_ =	shalt  }
0x58: {  	_ =	shalt  }
0x59: {  	_ =	shalt  }
0x5a: {  	_ =	shalt  }
0x5b: {  	_ =	shalt  }
0x5c: {  	_ =	shalt  }
0x5d: {  	_ =	shalt  }
0x5e: {  	_ =	shalt  }
0x5f: {  	_ =	shalt  }
0x60: {  	_ =	shalt  }
0x61: {  	_ =	shalt  }
0x62: {  	_ =	shalt  }
0x63: {  	_ =	shalt  }
0x64: {  	_ =	shalt  }
0x65: {  	_ =	shalt  }
0x66: {  	_ =	shalt  }
0x67: {  	_ =	shalt  }
0x68: {  	_ =	shalt  }
0x69: {  	_ =	shalt  }
0x6a: {  	_ =	shalt  }
0x6b: {  	_ =	shalt  }
0x6c: {  	_ =	shalt  }
0x6d: {  	_ =	shalt  }
0x6e: {  	_ =	shalt  }
0x6f: {  	_ =	shalt  }
0x70: {  	_ =	shalt  }
0x71: {  	_ =	shalt  }
0x72: {  	_ =	shalt  }
0x73: {  	_ =	shalt  }
0x74: {  	_ =	shalt  }
0x75: {  	_ =	shalt  }
0x76: {  	_ =	shalt  }
0x77: {  	_ =	shalt  }
0x78: {  	_ =	shalt  }
0x79: {  	_ =	shalt  }
0x7a: {  	_ =	shalt  }
0x7b: {  	_ =	shalt  }
0x7c: {  	_ =	shalt  }
0x7d: {  	_ =	shalt  }
0x7e: {  	_ =	shalt  }
0x7f: {  	_ =	shalt  }
0x80: {  	_ =	shalt  }
0x81: {  	_ =	shalt  }
0x82: {  	_ =	shalt  }
0x83: {  	_ =	shalt  }
0x84: {  	_ =	shalt  }
0x85: {  	_ =	shalt  }
0x86: {  	_ =	shalt  }
0x87: {  	_ =	shalt  }
.Lfunc_end0:
.L_simem_size_0:
called_computation_lowered:
.L_overlay_start_0:
0x88: {  	s1 =	sld [smem:$0x3FD9]  }
0x89: {  	s2 =	sld [smem:$0x3FFE];
	_ =	sdelay $0x1  }
0x8a: {  	s3 =	srdreg.scid  }
0x8b: {  	s0 =	sand.u32 $0x1, s3  }
0x8c: {  	s17 =	sshll.u32 s0, $0xA;
	s1 =	sadd.s32 s2, s1  }
0x8d: {  	s1 =	sadd.s32 s1, s17  }
0x8e: {  	[smem:$0x3FC5] =	sst s1  }
0x8f: {  	_ = 	snop  }
0x90: {  	(tm) =	ssettm $0x1  }
0x91: {  	s18 =	sld [smem:$0x3FFB];
	_ =	sdelay $0x3  }
0x92: {  	_ =	strace s18  }
0x93: {  	s1 =	sld [smem:$0x3FFC];
	_ =	sdelay $0x3  }
0x94: {  	_ =	strace s1  }
0x95: {  	s1 =	sld [smem:$0x3FFD];
	_ =	sdelay $0x3  }
0x96: {  	_ =	strace s1  }
0x97: {  	_ =	strace $0x8FFFFFFF  }
0x98: {  	s19 =	sld [smem:$0x3FDB];
	_ =	sdelay $0x1  }
0x99: {  	s20 =	simm.s32 $_scs_section_size  }
0x9a: {  	s4 =	simm.s32 $_size__tile_overlayer_lowered;
	s5 =	simm.s32 $_tile_overlayer_lowered  }
0x9b: {  	s23 =	simm.s32 $0x1BFF;
	s22 =	sshll.u32 s5, $0x1;
	s1 =	sadd.s32 s20, s19  }
0x9c: {  	s6 =	simm.s32 $0x0;
	s21 =	sshll.u32 s4, $0x1;
	s4 =	sadd.s32 s22, s1  }
0x9d: {  	[timem:s6], [sflag:s23] =	dma.local [hbm:s4], s21  }
0x9e: {  	_ =	swait.ge [sflag:s23], s21  }
0x9f: {  	s2 =	ssub.s32 $0x0, s21;
	[sflag:s23] =	ssyncset.done $0x0  }
0xa0: {  	[sflag:s23] =	ssyncadd.s32 s2;
	_ =	sdelay $0x1  }
0xa1: {  	s24 =	simm.s32 $0x1B8B  }
0xa2: {  	_ =	swait.ge [sflag:s24], $0x1  }
0xa3: {  	[sflag:s24] =	ssyncset.done $0x0  }
0xa4: {  	s25 =	simm.s32 $0x1B8E;
	[sflag:s24] =	ssyncadd.s32 $0xFFFFFFFF  }
0xa5: {  	s26 =	simm.s32 $execute0_lowered;
	[smem:$0x3FD2] =	sst s25  }
0xa6: {  	s2 =	sshll.u32 s26, $0x1;
	_ =	strace $0x80000046;
	[dreg:$0x1] =	wrdreg $0xFFFFFFFF  }
0xa7: {  	s28 =	simm.s32 $_size_execute0_lowered;
	s1 =	sadd.s32 s1, s2;
	[dreg:$0x0] =	wrdreg $0x0  }
0xa8: {  	s2 =	sshll.u32 s28, $0x1;
	[dreg:$0x2] =	wrdreg s1  }
0xa9: {  	[dreg:$0x3] =	wrdreg s2  }
0xaa: {  	[dreg:$0x4] =	wrdreg $0xC0  }
0xab: {  	_ =	task [dreg:s6], $0x5FFFF  }
0xac: {  	[dreg:$0x1] =	wrdreg $0xFFFFFFFF  }
0xad: {  	[dreg:$0x0] =	wrdreg $0x60  }
0xae: {  	[dreg:$0x2] =	wrdreg $0x80000  }
0xaf: {  	[dreg:$0x3] =	wrdreg $0x9  }
0xb0: {  	_ =	task.clear_ibuf [dreg:s6], $0x4FFFF;
	_ =	strace $0x90000046  }
0xb1: {  	s29 =	simm.s32 $0x9;
	_ =	strace $0x80000048  }
0xb2: {  	_ =	swait.ge [sflag:s29], $0x1  }
0xb3: {  	[sflag:s29] =	ssyncadd.s32 $0xFFFFFFFF  }
0xb4: {  	_ =	strace $0x90000048  }
0xb5: {  	_ =	sfence  }
0xb6: {  	s30 =	sld [smem:$0x0];
	_ =	sdelay $0x2  }
0xb7: {  	s31 =	sshll.u32 s3, $0xD;
	s3 =	sshrl.u32 s3, $0x2  }
0xb8: {  	s2 =	sand.u32 $0x4000, s31;
	s1 =	sadd.s32 s3, s30  }
0xb9: {  	s0 =	sor.u32 s2, s0;
	s1 =	sshll.u32 s1, $0x11  }
0xba: {  	s0 =	sor.u32 s1, s0  }
0xbb: {  	s0 =	sadd.s32 $0x8F2B, s0  }
0xbc: {  	[sflag:s0] =	ssyncadd.remote.s32 $0x1  }
0xbd: {  	_ =	sfence.sel $0xFFFF  }
0xbe: {  	[dreg:$0x0] =	wrdreg $0xFFFFFFFF;
	(pc) =	sbr.abs _section_cstart, $3  }
0xbf: {  	[dreg:$0x1] =	wrdreg $0xFFFFFFFF  }
0xc0: {  	_ =	task.clear_ibuf [dreg:s6], $0x2FFFF;
	_ =	strace $0x9FFFFFFF  }
0xc1: {  	(tm) =	ssettm $0x7FFFFFFF  }
tec
execute0_lowered:
.L_overlay_start_1:
0x0: {  	(tag) =	ssettag $0x1  }
0x1: {  	s0 =	srdreg.scid;
	s2 =	rddreg [dreg:$0x0]  }
0x2: {  	s1 =	stileid.u32;
	s6 =	simm.s32 $0x1;
	s0 =	sand.u32 $0x1, s0  }
0x3: {  	s7 =	simm.s32 $0x2;
	s8 =	simm.s32 $0x0;
	s3 =	ssub.s32 $0x2, s0  }
0x4: {  	s5 =	sshll.u32 s1, $0xE;
	s0 =	rddreg [dreg:$0x1];
	s4 =	sshrl.u32 s3, $0x1  }
0x5: {  	_ =	strace $0x80000047;
	s2 =	sadd.s32 s5, s2;
	s3 =	ssub.s32 s3, s4  }
0x6: {  	s5 =	simm.s32 $0x4000;
	s4 =	simm.s32 $0x0;
	s3 =	smax.u32 s3, $0x1  }
.LBB2_1:
0x7: {  	[spmem:s2] =	stream.linear.scatter [tilespmem:s4], [sflag:$0x1], $0x4000, $0x38;
	[tilespmem:$0xC000] =	vst v63  }
0x8: {  	_ = 	snop  }
0x9: {  	[spmem:s2] =	stream.linear.scatter [tilespmem:s5], [sflag:$0x2], $0x4000, $0x38;
	[tilespmem:$0xC000] =	vst v63  }
0xa: {  	_ =	swait.ge [sflag:s6], $0x4000  }
0xb: {  	[sflag:s6] =	ssyncset.done $0x0  }
0xc: {  	[sflag:s6] =	ssyncadd.s32 $0xFFFFC000  }
0xd: {  	[spmem:s2] =	stream.linear.scatter [tilespmem:s4], [sflag:$0x1], $0x4000, $0x38;
	[tilespmem:$0xC000] =	vst v63  }
0xe: {  	_ =	swait.ge [sflag:s7], $0x4000  }
0xf: {  	[sflag:s7] =	ssyncset.done $0x0  }
0x10: {  	s9 =	simm.s32 $0x62;
	[sflag:s7] =	ssyncadd.s32 $0xFFFFC000  }
.LBB2_2:
0x11: {  	[spmem:s2] =	stream.linear.scatter [tilespmem:s5], [sflag:$0x2], $0x4000, $0x38;
	[tilespmem:$0xC000] =	vst v63  }
0x12: {  	p0 =	sne.s32 s9, $0x1;
	s9 =	sadd.s32 $0xFFFFFFFF, s9;
	_ =	swait.ge [sflag:s6], $0x4000  }
0x13: {  	[sflag:s6] =	ssyncset.done $0x0  }
.Ltmp0:
0x14: {  	[sflag:s6] =	ssyncadd.s32 $0xFFFFC000;
	(pc) =	sbr.rel @p0 .LBB2_2-.Ltmp0, $4  }
0x15: {  	[spmem:s2] =	stream.linear.scatter [tilespmem:s4], [sflag:$0x1], $0x4000, $0x38;
	[tilespmem:$0xC000] =	vst v63  }
0x16: {  	_ =	swait.ge [sflag:s7], $0x4000  }
0x17: {  	[sflag:s7] =	ssyncset.done $0x0  }
0x18: {  	[sflag:s7] =	ssyncadd.s32 $0xFFFFC000  }
0x19: {  	[spmem:s2] =	stream.linear.scatter [tilespmem:s5], [sflag:$0x2], $0x4000, $0x38;
	[tilespmem:$0xC000] =	vst v63  }
0x1a: {  	s8 =	sadd.s32 $0x1, s8  }
0x1b: {  	_ =	swait.ge [sflag:s6], $0x4000;
	p0 =	sne.s32 s8, s3  }
.Ltmp1:
0x1c: {  	[sflag:s6] =	ssyncset.done $0x0;
	(pc) =	sbr.rel @p0 .LBB2_1-.Ltmp1, $4  }
0x1d: {  	[sflag:s6] =	ssyncadd.s32 $0xFFFFC000  }
0x1e: {  	_ =	swait.ge [sflag:s7], $0x4000  }
0x1f: {  	[sflag:s7] =	ssyncset.done $0x0  }
0x20: {  	[sflag:s7] =	ssyncadd.s32 $0xFFFFC000  }
0x21: {  	_ =	sfence.sel $0x180000  }
0x22: {  	[bflag:$0x0] =	sbarrier.arrive $0xFFFF  }
0x23: {  	p0 =	sne.s32 s1, $0x0;
	_ =	strace $0x90000047  }
0x24: {  	s0 =	sadd.s32 @!p0 $0x100000, s0;
	[bflag:$0x2] =	sbarrier.arrive $0xFFFF  }
0x25: {  	[sflag:s0] =	ssyncadd.tile.s32 @!p0 $0x1;
	_ =	shalt  }
.Lfunc_end2:
_tile_overlayer_lowered:
.L_overlay_start_2:
0x26: {  	(tag) =	ssettag $0x2  }
0x27: {  	s0 =	rddreg [dreg:$0x0];
	s2 =	stileid.u32  }
0x28: {  	s1 =	rddreg [dreg:$0x1];
	p0 =	sne.s32 s2, $0x0  }
0x29: {  	s3 =	rddreg [dreg:$0x2];
	[bflag:$0x3] =	sbarrier.arrive $0xFFFF;
	s2 =	simm.s32 @!p0 $0x1C03  }
0x2a: {  	[timem:s3], [sflag:s2] =	dma.local @!p0 [hbm:s0], s1  }
0x2b: {  	s0 =	simm.s32 @!p0 $0x3  }
0x2c: {  	_ =	swait.ge @!p0 [sflag:s0], s1  }
0x2d: {  	s1 =	ssub.s32 @!p0 $0x0, s1;
	[sflag:s0] =	ssyncset.done @!p0 $0x0  }
0x2e: {  	[sflag:s0] =	ssyncadd.s32 @!p0 s1  }
0x2f: {  	[bflag:$0x3] =	sbarrier.arrive $0xFFFF  }
0x30: {  	_ =	shalt  }

</sc_bundles>
